<compile_context>
chip_gen: v7x
topology: tpu7x:2x2x1
jax: 0.10.2.dev20260603
libtpu: 0.0.44.dev20260713+nightly
codegen_flags: <defaults>
</compile_context>

<pallas_src>
import jax
import jax.numpy as jnp
from jax import lax
from jax.experimental import pallas as pl
from jax.experimental.pallas import tpu as pltpu
from jax.experimental.pallas import tpu_sc as plsc

DIM = 32
NE = 8192
M = 16384
BM = 256
NC = 2
NS = 16
NW = NC * NS
BW = M // NW
LANES = 16


def _argmin_body(xl_ref, xh_ref, el_ref, eh_ref, idx_ref):
    x = jnp.concatenate([xl_ref[...], xh_ref[...]], axis=1)
    e = jnp.concatenate([el_ref[...], eh_ref[...]], axis=0)
    s = jnp.sum(x * x, axis=1, keepdims=True)
    b = lax.dot_general(x.astype(jnp.bfloat16), e.astype(jnp.bfloat16),
                        (((1,), (0,)), ((), ())),
                        preferred_element_type=jnp.float32)
    c = jnp.sum(e * e, axis=0, keepdims=True)
    dist = s - 2.0 * b + c
    mn = jnp.min(dist, axis=1, keepdims=True)
    ii = lax.broadcasted_iota(jnp.int32, dist.shape, 1)
    idx_ref[...] = jnp.min(jnp.where(dist == mn, ii, jnp.int32(NE)), axis=1)


TW = 128


CH = 256


def _sc_gather_body(idx_hbm, tab_hbm, xl_hbm, xh_hbm,
                    q_out, part_out,
                    idx_v, q_v, xl_v, xh_v, acc_v, sem):
    wid = lax.axis_index("s") * NC + lax.axis_index("c")
    z = jnp.zeros((LANES,), jnp.float32)
    acc_l, acc_h = z, z
    for ch in range(BW // CH):
        base = wid * BW + ch * CH
        pltpu.sync_copy(idx_hbm.at[pl.ds(base, CH)], idx_v)
        pltpu.async_copy(tab_hbm.at[idx_v], q_v, sem).wait()
        pltpu.sync_copy(q_v, q_out.at[pl.ds(base, CH)])
        pltpu.sync_copy(xl_hbm.at[pl.ds(base, CH)], xl_v)
        pltpu.sync_copy(xh_hbm.at[pl.ds(base, CH)], xh_v)

        def body(i, carry):
            a_l, a_h = carry
            dl0 = q_v[i, pl.ds(0, LANES)] - xl_v[i, pl.ds(0, LANES)]
            dl1 = q_v[i, pl.ds(LANES, LANES)] - xl_v[i, pl.ds(LANES, LANES)]
            dh0 = q_v[i, pl.ds(2 * LANES, LANES)] - xh_v[i, pl.ds(0, LANES)]
            dh1 = q_v[i, pl.ds(3 * LANES, LANES)] - xh_v[i, pl.ds(LANES, LANES)]
            return (a_l + dl0 * dl0 + dl1 * dl1,
                    a_h + dh0 * dh0 + dh1 * dh1)

        acc_l, acc_h = lax.fori_loop(0, CH, body, (acc_l, acc_h))
    acc_v[0, :] = acc_l
    acc_v[1, :] = acc_h
    pltpu.sync_copy(acc_v, part_out.at[wid])


def kernel(input_hr, input_lr, embed_lr, embed_hr):
    x_lr = input_lr.reshape(M, DIM)
    x_hr = input_hr.reshape(M, DIM)

    idx = pl.pallas_call(
        _argmin_body,
        grid=(M // BM,),
        in_specs=[
            pl.BlockSpec((BM, DIM), lambda i: (i, 0)),
            pl.BlockSpec((BM, DIM), lambda i: (i, 0)),
            pl.BlockSpec((DIM, NE), lambda i: (0, 0)),
            pl.BlockSpec((DIM, NE), lambda i: (0, 0)),
        ],
        out_specs=pl.BlockSpec((BM,), lambda i: (i,)),
        out_shape=jax.ShapeDtypeStruct((M,), jnp.int32),
    )(x_lr, x_hr, embed_lr, embed_hr)

    tab = jnp.concatenate(
        [embed_lr.T, embed_hr.T,
         jnp.zeros((NE, TW - 2 * DIM), jnp.float32)], axis=1)

    sc_gather = pl.kernel(
        _sc_gather_body,
        out_type=(
            jax.ShapeDtypeStruct((M, TW), jnp.float32),
            jax.ShapeDtypeStruct((NW, 2, LANES), jnp.float32),
        ),
        mesh=plsc.VectorSubcoreMesh(core_axis_name="c", subcore_axis_name="s"),
        scratch_types=[
            pltpu.VMEM((CH,), jnp.int32),
            pltpu.VMEM((CH, TW), jnp.float32),
            pltpu.VMEM((CH, DIM), jnp.float32),
            pltpu.VMEM((CH, DIM), jnp.float32),
            pltpu.VMEM((2, LANES), jnp.float32),
            pltpu.SemaphoreType.DMA,
        ],
    )
    q_pad, part = sc_gather(idx, tab, x_lr, x_hr)
    q_lr = q_pad[:, :DIM]
    q_hr = q_pad[:, DIM:2 * DIM]

    inv = jnp.float32(1.0 / (M * DIM))
    diff_lr = jnp.sum(part[:, 0, :]) * inv
    diff_hr = jnp.sum(part[:, 1, :]) * inv
    quantize_lr = (x_lr + (q_lr - x_lr)).reshape(input_lr.shape)
    quantize_hr = (x_hr + (q_hr - x_hr)).reshape(input_hr.shape)
    ind = idx.reshape(input_hr.shape[:-1])
    return (quantize_hr, quantize_lr, diff_hr, diff_lr, ind, ind)

# --- scband reference (transcript-rebuilt; emitter-appended) ---
"""Pipeline reference for scband-dual-quantize2-43645457662415 (READ-ONLY COPY).

The authoritative reference and input builder live on the scoring server;
editing this copy changes nothing except your own understanding.
"""

import jax, jax.numpy as jnp
import numpy as np

DIM = 32
N_EMBED = 8192
B = 16
T = 1024


def setup_inputs(seed: int = 0) -> dict:
    key = jax.random.key(seed)
    k1, k2, k3, k4 = jax.random.split(key, 4)
    input_hr = jax.random.normal(k1, (B, T, DIM), dtype=jnp.float32)
    input_lr = jax.random.normal(k2, (B, T, DIM), dtype=jnp.float32)
    embed_lr = jax.random.uniform(k3, (DIM, N_EMBED), minval=-1.0 / N_EMBED, maxval=1.0 / N_EMBED, dtype=jnp.float32)
    embed_hr = jax.random.uniform(k4, (DIM, N_EMBED), minval=-1.0 / N_EMBED, maxval=1.0 / N_EMBED, dtype=jnp.float32)
    return {"input_hr": input_hr, "input_lr": input_lr, "embed_lr": embed_lr, "embed_hr": embed_hr}


def reference(input_hr, input_lr, embed_lr, embed_hr):
    dim = input_hr.shape[-1]
    flatten_hr = input_hr.reshape(-1, dim)
    flatten_lr = input_lr.reshape(-1, dim)
    # parallel forward_type, normalization=False
    flatten = jnp.concatenate([flatten_lr, flatten_hr], axis=1)
    embed = jnp.concatenate([embed_lr, embed_hr], axis=0)  # [2*dim, n_embed]
    dist = (jnp.sum(flatten ** 2, axis=1, keepdims=True)
            - 2.0 * flatten @ embed
            + jnp.sum(embed ** 2, axis=0, keepdims=True))
    embed_ind = jnp.argmax(-dist, axis=1)
    embed_ind = embed_ind.reshape(input_hr.shape[:-1])
    # embed_code: F.embedding(ind, embed.T)
    quantize_hr = jnp.take(embed_hr.T, embed_ind, axis=0)
    quantize_lr = jnp.take(embed_lr.T, embed_ind, axis=0)
    diff_hr = jnp.mean((jax.lax.stop_gradient(quantize_hr) - input_hr) ** 2)
    diff_lr = jnp.mean((jax.lax.stop_gradient(quantize_lr) - input_lr) ** 2)
    quantize_lr = input_lr + jax.lax.stop_gradient(quantize_lr - input_lr)
    quantize_hr = input_hr + jax.lax.stop_gradient(quantize_hr - input_hr)
    return (quantize_hr, quantize_lr, diff_hr, diff_lr, embed_ind, embed_ind)

if __name__ == "__main__":
    import jax
    _d = setup_inputs()
    print(jax.jit(kernel)(*tuple(_d.values())))

</pallas_src>

<mosaic_0001>
#map = affine_map<(d0, d1) -> (0)>
#map1 = affine_map<(d0, d1) -> (0, 0)>
#map2 = affine_map<(d0, d1) -> (0, 0, 0)>
module attributes {stable_mosaic.version = 14 : i64} {
  func.func @_sc_gather_body(%arg0: i32, %arg1: i32, %arg2: memref<16384xi32, #tpu.memory_space<hbm>>, %arg3: memref<8192x128xf32, #tpu.memory_space<hbm>>, %arg4: memref<16384x32xf32, #tpu.memory_space<hbm>>, %arg5: memref<16384x32xf32, #tpu.memory_space<hbm>>, %arg6: memref<16384x128xf32, #tpu.memory_space<hbm>>, %arg7: memref<32x2x16xf32, #tpu.memory_space<hbm>>, %arg8: memref<256xi32, #tpu.memory_space<vmem>>, %arg9: memref<256x128xf32, #tpu.memory_space<vmem>>, %arg10: memref<256x32xf32, #tpu.memory_space<vmem>>, %arg11: memref<256x32xf32, #tpu.memory_space<vmem>>, %arg12: memref<2x16xf32, #tpu.memory_space<vmem>>, %arg13: memref<!tpu.dma_semaphore, #tpu.memory_space<semaphore_mem>>) attributes {dimension_semantics = [#tpu.dimension_semantics<core_parallel>, #tpu.dimension_semantics<subcore_parallel>], iteration_bounds = array<i64: 2, 16>, scalar_prefetch = 0 : i64, scratch_operands = 6 : i64, tpu.core_type = #tpu.core_type<sc_vector_subcore>, window_params = [{transform_indices = #map}, {transform_indices = #map1}, {transform_indices = #map1}, {transform_indices = #map1}, {transform_indices = #map1}, {transform_indices = #map2}]} {
    %mul3A = arith.constant 2 : i32
    %mul3A_0 = arith.muli %arg1, %mul3A : i32
    %add3A = arith.addi %mul3A_0, %arg0 : i32
    %broadcast_in_dim3A = arith.constant 0.000000e+00 : f32
    %broadcast_in_dim3A_1 = vector.broadcast %broadcast_in_dim3A : f32 to vector<16xf32>
    %mul3A_2 = arith.constant 512 : i32
    %mul3A_3 = arith.muli %add3A, %mul3A_2 : i32
    %add3A_4 = arith.constant 0 : i32
    %add3A_5 = arith.addi %mul3A_3, %add3A_4 : i32
    "tpu.region"() ({
      %run_scoped3A = tpu.sem_alloc : memref<!tpu.dma_semaphore, #tpu.memory_space<semaphore_mem>>
      %dma_start3A_42 = tpu.memref_slice %arg2[%add3A_5] : memref<16384xi32, #tpu.memory_space<hbm>> -> memref<256xi32, #tpu.memory_space<hbm>>
      %dma_start3A_43 = tpu.memref_slice %arg2[%add3A_5] : memref<16384xi32, #tpu.memory_space<hbm>> -> memref<256xi32, #tpu.memory_space<hbm>>
      tpu.enqueue_dma source(%dma_start3A_43 : memref<256xi32, #tpu.memory_space<hbm>>) target(%arg8 : memref<256xi32, #tpu.memory_space<vmem>>) target_semaphore(%run_scoped3A : memref<!tpu.dma_semaphore, #tpu.memory_space<semaphore_mem>>)
      %dma_wait3A_44 = tpu.memref_slice %arg2[%add3A_5] : memref<16384xi32, #tpu.memory_space<hbm>> -> memref<256xi32, #tpu.memory_space<hbm>>
      %dma_wait3A_45 = tpu.memref_slice %arg2[%add3A_5] : memref<16384xi32, #tpu.memory_space<hbm>> -> memref<256xi32, #tpu.memory_space<hbm>>
      tpu.wait_dma2 semaphore(%run_scoped3A : memref<!tpu.dma_semaphore, #tpu.memory_space<semaphore_mem>>) src(%dma_wait3A_45 : memref<256xi32, #tpu.memory_space<hbm>>) dst(%arg8 : memref<256xi32, #tpu.memory_space<vmem>>)
      tpu.yield
    }) : () -> ()
    %dma_start3A = arith.constant 0 : i32
    %dma_start3A_6 = arith.constant 0 : i32
    %dma_start3A_7 = tpu.memref_slice %arg3[%dma_start3A, %dma_start3A_6] : memref<8192x128xf32, #tpu.memory_space<hbm>> -> memref<8192x128xf32, #tpu.memory_space<hbm>>
    tpu.enqueue_indirect_dma source(%dma_start3A_7 : memref<8192x128xf32, #tpu.memory_space<hbm>>) target(%arg9 : memref<256x128xf32, #tpu.memory_space<vmem>>) offsets(%arg8 : memref<256xi32, #tpu.memory_space<vmem>>) semaphore(%arg13 : memref<!tpu.dma_semaphore, #tpu.memory_space<semaphore_mem>>)
    %dma_wait3A = arith.constant 0 : i32
    %dma_wait3A_8 = arith.constant 0 : i32
    %dma_wait3A_9 = tpu.memref_slice %arg3[%dma_wait3A, %dma_wait3A_8] : memref<8192x128xf32, #tpu.memory_space<hbm>> -> memref<8192x128xf32, #tpu.memory_space<hbm>>
    tpu.wait_indirect_dma semaphore(%arg13 : memref<!tpu.dma_semaphore, #tpu.memory_space<semaphore_mem>>) src(%dma_wait3A_9 : memref<8192x128xf32, #tpu.memory_space<hbm>>) dst(%arg9 : memref<256x128xf32, #tpu.memory_space<vmem>>)
    "tpu.region"() ({
      %run_scoped3A = tpu.sem_alloc : memref<!tpu.dma_semaphore, #tpu.memory_space<semaphore_mem>>
      %dma_start3A_42 = arith.constant 0 : i32
      %dma_start3A_43 = tpu.memref_slice %arg6[%add3A_5, %dma_start3A_42] : memref<16384x128xf32, #tpu.memory_space<hbm>> -> memref<256x128xf32, #tpu.memory_space<hbm>>
      %dma_start3A_44 = arith.constant 0 : i32
      %dma_start3A_45 = tpu.memref_slice %arg6[%add3A_5, %dma_start3A_44] : memref<16384x128xf32, #tpu.memory_space<hbm>> -> memref<256x128xf32, #tpu.memory_space<hbm>>
      tpu.enqueue_dma source(%arg9 : memref<256x128xf32, #tpu.memory_space<vmem>>) target(%dma_start3A_45 : memref<256x128xf32, #tpu.memory_space<hbm>>) target_semaphore(%run_scoped3A : memref<!tpu.dma_semaphore, #tpu.memory_space<semaphore_mem>>)
      %dma_wait3A_46 = arith.constant 0 : i32
      %dma_wait3A_47 = tpu.memref_slice %arg6[%add3A_5, %dma_wait3A_46] : memref<16384x128xf32, #tpu.memory_space<hbm>> -> memref<256x128xf32, #tpu.memory_space<hbm>>
      %dma_wait3A_48 = arith.constant 0 : i32
      %dma_wait3A_49 = tpu.memref_slice %arg6[%add3A_5, %dma_wait3A_48] : memref<16384x128xf32, #tpu.memory_space<hbm>> -> memref<256x128xf32, #tpu.memory_space<hbm>>
      tpu.wait_dma2 semaphore(%run_scoped3A : memref<!tpu.dma_semaphore, #tpu.memory_space<semaphore_mem>>) src(%arg9 : memref<256x128xf32, #tpu.memory_space<vmem>>) dst(%dma_wait3A_49 : memref<256x128xf32, #tpu.memory_space<hbm>>)
      tpu.yield
    }) : () -> ()
    "tpu.region"() ({
      %run_scoped3A = tpu.sem_alloc : memref<!tpu.dma_semaphore, #tpu.memory_space<semaphore_mem>>
      %dma_start3A_42 = arith.constant 0 : i32
      %dma_start3A_43 = tpu.memref_slice %arg4[%add3A_5, %dma_start3A_42] : memref<16384x32xf32, #tpu.memory_space<hbm>> -> memref<256x32xf32, #tpu.memory_space<hbm>>
      %dma_start3A_44 = arith.constant 0 : i32
      %dma_start3A_45 = tpu.memref_slice %arg4[%add3A_5, %dma_start3A_44] : memref<16384x32xf32, #tpu.memory_space<hbm>> -> memref<256x32xf32, #tpu.memory_space<hbm>>
      tpu.enqueue_dma source(%dma_start3A_45 : memref<256x32xf32, #tpu.memory_space<hbm>>) target(%arg10 : memref<256x32xf32, #tpu.memory_space<vmem>>) target_semaphore(%run_scoped3A : memref<!tpu.dma_semaphore, #tpu.memory_space<semaphore_mem>>)
      %dma_wait3A_46 = arith.constant 0 : i32
      %dma_wait3A_47 = tpu.memref_slice %arg4[%add3A_5, %dma_wait3A_46] : memref<16384x32xf32, #tpu.memory_space<hbm>> -> memref<256x32xf32, #tpu.memory_space<hbm>>
      %dma_wait3A_48 = arith.constant 0 : i32
      %dma_wait3A_49 = tpu.memref_slice %arg4[%add3A_5, %dma_wait3A_48] : memref<16384x32xf32, #tpu.memory_space<hbm>> -> memref<256x32xf32, #tpu.memory_space<hbm>>
      tpu.wait_dma2 semaphore(%run_scoped3A : memref<!tpu.dma_semaphore, #tpu.memory_space<semaphore_mem>>) src(%dma_wait3A_49 : memref<256x32xf32, #tpu.memory_space<hbm>>) dst(%arg10 : memref<256x32xf32, #tpu.memory_space<vmem>>)
      tpu.yield
    }) : () -> ()
    "tpu.region"() ({
      %run_scoped3A = tpu.sem_alloc : memref<!tpu.dma_semaphore, #tpu.memory_space<semaphore_mem>>
      %dma_start3A_42 = arith.constant 0 : i32
      %dma_start3A_43 = tpu.memref_slice %arg5[%add3A_5, %dma_start3A_42] : memref<16384x32xf32, #tpu.memory_space<hbm>> -> memref<256x32xf32, #tpu.memory_space<hbm>>
      %dma_start3A_44 = arith.constant 0 : i32
      %dma_start3A_45 = tpu.memref_slice %arg5[%add3A_5, %dma_start3A_44] : memref<16384x32xf32, #tpu.memory_space<hbm>> -> memref<256x32xf32, #tpu.memory_space<hbm>>
      tpu.enqueue_dma source(%dma_start3A_45 : memref<256x32xf32, #tpu.memory_space<hbm>>) target(%arg11 : memref<256x32xf32, #tpu.memory_space<vmem>>) target_semaphore(%run_scoped3A : memref<!tpu.dma_semaphore, #tpu.memory_space<semaphore_mem>>)
      %dma_wait3A_46 = arith.constant 0 : i32
      %dma_wait3A_47 = tpu.memref_slice %arg5[%add3A_5, %dma_wait3A_46] : memref<16384x32xf32, #tpu.memory_space<hbm>> -> memref<256x32xf32, #tpu.memory_space<hbm>>
      %dma_wait3A_48 = arith.constant 0 : i32
      %dma_wait3A_49 = tpu.memref_slice %arg5[%add3A_5, %dma_wait3A_48] : memref<16384x32xf32, #tpu.memory_space<hbm>> -> memref<256x32xf32, #tpu.memory_space<hbm>>
      tpu.wait_dma2 semaphore(%run_scoped3A : memref<!tpu.dma_semaphore, #tpu.memory_space<semaphore_mem>>) src(%dma_wait3A_49 : memref<256x32xf32, #tpu.memory_space<hbm>>) dst(%arg11 : memref<256x32xf32, #tpu.memory_space<vmem>>)
      tpu.yield
    }) : () -> ()
    %scan3A = arith.constant 0 : i32
    %scan3A_10 = arith.constant 256 : i32
    %scan3A_11 = arith.addi %scan3A, %scan3A_10 : i32
    %scan3A_12 = arith.constant 1 : i32
    %scan3A_13:2 = scf.for %scan3A_42 = %scan3A to %scan3A_11 step %scan3A_12 iter_args(%scan3A_43 = %broadcast_in_dim3A_1, %scan3A_44 = %broadcast_in_dim3A_1) -> (vector<16xf32>, vector<16xf32>)  : i32 {
      %get3A = arith.index_cast %scan3A_42 : i32 to index
      %get3A_45 = arith.constant 0 : index
      %get3A_46 = tpu.vector_load %arg9[%get3A, %get3A_45] {strides = array<i32>} : memref<256x128xf32, #tpu.memory_space<vmem>>, vector<1x16xf32>,
      %get3A_47 = vector.shape_cast %get3A_46 : vector<1x16xf32> to vector<16xf32>
      %get3A_48 = arith.index_cast %scan3A_42 : i32 to index
      %get3A_49 = arith.constant 0 : index
      %get3A_50 = tpu.vector_load %arg10[%get3A_48, %get3A_49] {strides = array<i32>} : memref<256x32xf32, #tpu.memory_space<vmem>>, vector<1x16xf32>,
      %get3A_51 = vector.shape_cast %get3A_50 : vector<1x16xf32> to vector<16xf32>
      %sub3A = arith.subf %get3A_47, %get3A_51 : vector<16xf32>
      %get3A_52 = arith.index_cast %scan3A_42 : i32 to index
      %get3A_53 = arith.constant 16 : index
      %get3A_54 = tpu.vector_load %arg9[%get3A_52, %get3A_53] {strides = array<i32>} : memref<256x128xf32, #tpu.memory_space<vmem>>, vector<1x16xf32>,
      %get3A_55 = vector.shape_cast %get3A_54 : vector<1x16xf32> to vector<16xf32>
      %get3A_56 = arith.index_cast %scan3A_42 : i32 to index
      %get3A_57 = arith.constant 16 : index
      %get3A_58 = tpu.vector_load %arg10[%get3A_56, %get3A_57] {strides = array<i32>} : memref<256x32xf32, #tpu.memory_space<vmem>>, vector<1x16xf32>,
      %get3A_59 = vector.shape_cast %get3A_58 : vector<1x16xf32> to vector<16xf32>
      %sub3A_60 = arith.subf %get3A_55, %get3A_59 : vector<16xf32>
      %get3A_61 = arith.index_cast %scan3A_42 : i32 to index
      %get3A_62 = arith.constant 32 : index
      %get3A_63 = tpu.vector_load %arg9[%get3A_61, %get3A_62] {strides = array<i32>} : memref<256x128xf32, #tpu.memory_space<vmem>>, vector<1x16xf32>,
      %get3A_64 = vector.shape_cast %get3A_63 : vector<1x16xf32> to vector<16xf32>
      %get3A_65 = arith.index_cast %scan3A_42 : i32 to index
      %get3A_66 = arith.constant 0 : index
      %get3A_67 = tpu.vector_load %arg11[%get3A_65, %get3A_66] {strides = array<i32>} : memref<256x32xf32, #tpu.memory_space<vmem>>, vector<1x16xf32>,
      %get3A_68 = vector.shape_cast %get3A_67 : vector<1x16xf32> to vector<16xf32>
      %sub3A_69 = arith.subf %get3A_64, %get3A_68 : vector<16xf32>
      %get3A_70 = arith.index_cast %scan3A_42 : i32 to index
      %get3A_71 = arith.constant 48 : index
      %get3A_72 = tpu.vector_load %arg9[%get3A_70, %get3A_71] {strides = array<i32>} : memref<256x128xf32, #tpu.memory_space<vmem>>, vector<1x16xf32>,
      %get3A_73 = vector.shape_cast %get3A_72 : vector<1x16xf32> to vector<16xf32>
      %get3A_74 = arith.index_cast %scan3A_42 : i32 to index
      %get3A_75 = arith.constant 16 : index
      %get3A_76 = tpu.vector_load %arg11[%get3A_74, %get3A_75] {strides = array<i32>} : memref<256x32xf32, #tpu.memory_space<vmem>>, vector<1x16xf32>,
      %get3A_77 = vector.shape_cast %get3A_76 : vector<1x16xf32> to vector<16xf32>
      %sub3A_78 = arith.subf %get3A_73, %get3A_77 : vector<16xf32>
      %mul3A_79 = arith.mulf %sub3A, %sub3A : vector<16xf32>
      %add3A_80 = arith.addf %scan3A_43, %mul3A_79 : vector<16xf32>
      %mul3A_81 = arith.mulf %sub3A_60, %sub3A_60 : vector<16xf32>
      %add3A_82 = arith.addf %add3A_80, %mul3A_81 : vector<16xf32>
      %mul3A_83 = arith.mulf %sub3A_69, %sub3A_69 : vector<16xf32>
      %add3A_84 = arith.addf %scan3A_44, %mul3A_83 : vector<16xf32>
      %mul3A_85 = arith.mulf %sub3A_78, %sub3A_78 : vector<16xf32>
      %add3A_86 = arith.addf %add3A_84, %mul3A_85 : vector<16xf32>
      scf.yield %add3A_82, %add3A_86 : vector<16xf32>, vector<16xf32>
    }
    %scan3A_14 = arith.constant 256 : i32
    %mul3A_15 = arith.constant 512 : i32
    %mul3A_16 = arith.muli %add3A, %mul3A_15 : i32
    %add3A_17 = arith.constant 256 : i32
    %add3A_18 = arith.addi %mul3A_16, %add3A_17 : i32
    "tpu.region"() ({
      %run_scoped3A = tpu.sem_alloc : memref<!tpu.dma_semaphore, #tpu.memory_space<semaphore_mem>>
      %dma_start3A_42 = tpu.memref_slice %arg2[%add3A_18] : memref<16384xi32, #tpu.memory_space<hbm>> -> memref<256xi32, #tpu.memory_space<hbm>>
      %dma_start3A_43 = tpu.memref_slice %arg2[%add3A_18] : memref<16384xi32, #tpu.memory_space<hbm>> -> memref<256xi32, #tpu.memory_space<hbm>>
      tpu.enqueue_dma source(%dma_start3A_43 : memref<256xi32, #tpu.memory_space<hbm>>) target(%arg8 : memref<256xi32, #tpu.memory_space<vmem>>) target_semaphore(%run_scoped3A : memref<!tpu.dma_semaphore, #tpu.memory_space<semaphore_mem>>)
      %dma_wait3A_44 = tpu.memref_slice %arg2[%add3A_18] : memref<16384xi32, #tpu.memory_space<hbm>> -> memref<256xi32, #tpu.memory_space<hbm>>
      %dma_wait3A_45 = tpu.memref_slice %arg2[%add3A_18] : memref<16384xi32, #tpu.memory_space<hbm>> -> memref<256xi32, #tpu.memory_space<hbm>>
      tpu.wait_dma2 semaphore(%run_scoped3A : memref<!tpu.dma_semaphore, #tpu.memory_space<semaphore_mem>>) src(%dma_wait3A_45 : memref<256xi32, #tpu.memory_space<hbm>>) dst(%arg8 : memref<256xi32, #tpu.memory_space<vmem>>)
      tpu.yield
    }) : () -> ()
    %dma_start3A_19 = arith.constant 0 : i32
    %dma_start3A_20 = arith.constant 0 : i32
    %dma_start3A_21 = tpu.memref_slice %arg3[%dma_start3A_19, %dma_start3A_20] : memref<8192x128xf32, #tpu.memory_space<hbm>> -> memref<8192x128xf32, #tpu.memory_space<hbm>>
    tpu.enqueue_indirect_dma source(%dma_start3A_21 : memref<8192x128xf32, #tpu.memory_space<hbm>>) target(%arg9 : memref<256x128xf32, #tpu.memory_space<vmem>>) offsets(%arg8 : memref<256xi32, #tpu.memory_space<vmem>>) semaphore(%arg13 : memref<!tpu.dma_semaphore, #tpu.memory_space<semaphore_mem>>)
    %dma_wait3A_22 = arith.constant 0 : i32
    %dma_wait3A_23 = arith.constant 0 : i32
    %dma_wait3A_24 = tpu.memref_slice %arg3[%dma_wait3A_22, %dma_wait3A_23] : memref<8192x128xf32, #tpu.memory_space<hbm>> -> memref<8192x128xf32, #tpu.memory_space<hbm>>
    tpu.wait_indirect_dma semaphore(%arg13 : memref<!tpu.dma_semaphore, #tpu.memory_space<semaphore_mem>>) src(%dma_wait3A_24 : memref<8192x128xf32, #tpu.memory_space<hbm>>) dst(%arg9 : memref<256x128xf32, #tpu.memory_space<vmem>>)
    "tpu.region"() ({
      %run_scoped3A = tpu.sem_alloc : memref<!tpu.dma_semaphore, #tpu.memory_space<semaphore_mem>>
      %dma_start3A_42 = arith.constant 0 : i32
      %dma_start3A_43 = tpu.memref_slice %arg6[%add3A_18, %dma_start3A_42] : memref<16384x128xf32, #tpu.memory_space<hbm>> -> memref<256x128xf32, #tpu.memory_space<hbm>>
      %dma_start3A_44 = arith.constant 0 : i32
      %dma_start3A_45 = tpu.memref_slice %arg6[%add3A_18, %dma_start3A_44] : memref<16384x128xf32, #tpu.memory_space<hbm>> -> memref<256x128xf32, #tpu.memory_space<hbm>>
      tpu.enqueue_dma source(%arg9 : memref<256x128xf32, #tpu.memory_space<vmem>>) target(%dma_start3A_45 : memref<256x128xf32, #tpu.memory_space<hbm>>) target_semaphore(%run_scoped3A : memref<!tpu.dma_semaphore, #tpu.memory_space<semaphore_mem>>)
      %dma_wait3A_46 = arith.constant 0 : i32
      %dma_wait3A_47 = tpu.memref_slice %arg6[%add3A_18, %dma_wait3A_46] : memref<16384x128xf32, #tpu.memory_space<hbm>> -> memref<256x128xf32, #tpu.memory_space<hbm>>
      %dma_wait3A_48 = arith.constant 0 : i32
      %dma_wait3A_49 = tpu.memref_slice %arg6[%add3A_18, %dma_wait3A_48] : memref<16384x128xf32, #tpu.memory_space<hbm>> -> memref<256x128xf32, #tpu.memory_space<hbm>>
      tpu.wait_dma2 semaphore(%run_scoped3A : memref<!tpu.dma_semaphore, #tpu.memory_space<semaphore_mem>>) src(%arg9 : memref<256x128xf32, #tpu.memory_space<vmem>>) dst(%dma_wait3A_49 : memref<256x128xf32, #tpu.memory_space<hbm>>)
      tpu.yield
    }) : () -> ()
    "tpu.region"() ({
      %run_scoped3A = tpu.sem_alloc : memref<!tpu.dma_semaphore, #tpu.memory_space<semaphore_mem>>
      %dma_start3A_42 = arith.constant 0 : i32
      %dma_start3A_43 = tpu.memref_slice %arg4[%add3A_18, %dma_start3A_42] : memref<16384x32xf32, #tpu.memory_space<hbm>> -> memref<256x32xf32, #tpu.memory_space<hbm>>
      %dma_start3A_44 = arith.constant 0 : i32
      %dma_start3A_45 = tpu.memref_slice %arg4[%add3A_18, %dma_start3A_44] : memref<16384x32xf32, #tpu.memory_space<hbm>> -> memref<256x32xf32, #tpu.memory_space<hbm>>
      tpu.enqueue_dma source(%dma_start3A_45 : memref<256x32xf32, #tpu.memory_space<hbm>>) target(%arg10 : memref<256x32xf32, #tpu.memory_space<vmem>>) target_semaphore(%run_scoped3A : memref<!tpu.dma_semaphore, #tpu.memory_space<semaphore_mem>>)
      %dma_wait3A_46 = arith.constant 0 : i32
      %dma_wait3A_47 = tpu.memref_slice %arg4[%add3A_18, %dma_wait3A_46] : memref<16384x32xf32, #tpu.memory_space<hbm>> -> memref<256x32xf32, #tpu.memory_space<hbm>>
      %dma_wait3A_48 = arith.constant 0 : i32
      %dma_wait3A_49 = tpu.memref_slice %arg4[%add3A_18, %dma_wait3A_48] : memref<16384x32xf32, #tpu.memory_space<hbm>> -> memref<256x32xf32, #tpu.memory_space<hbm>>
      tpu.wait_dma2 semaphore(%run_scoped3A : memref<!tpu.dma_semaphore, #tpu.memory_space<semaphore_mem>>) src(%dma_wait3A_49 : memref<256x32xf32, #tpu.memory_space<hbm>>) dst(%arg10 : memref<256x32xf32, #tpu.memory_space<vmem>>)
      tpu.yield
    }) : () -> ()
    "tpu.region"() ({
      %run_scoped3A = tpu.sem_alloc : memref<!tpu.dma_semaphore, #tpu.memory_space<semaphore_mem>>
      %dma_start3A_42 = arith.constant 0 : i32
      %dma_start3A_43 = tpu.memref_slice %arg5[%add3A_18, %dma_start3A_42] : memref<16384x32xf32, #tpu.memory_space<hbm>> -> memref<256x32xf32, #tpu.memory_space<hbm>>
      %dma_start3A_44 = arith.constant 0 : i32
      %dma_start3A_45 = tpu.memref_slice %arg5[%add3A_18, %dma_start3A_44] : memref<16384x32xf32, #tpu.memory_space<hbm>> -> memref<256x32xf32, #tpu.memory_space<hbm>>
      tpu.enqueue_dma source(%dma_start3A_45 : memref<256x32xf32, #tpu.memory_space<hbm>>) target(%arg11 : memref<256x32xf32, #tpu.memory_space<vmem>>) target_semaphore(%run_scoped3A : memref<!tpu.dma_semaphore, #tpu.memory_space<semaphore_mem>>)
      %dma_wait3A_46 = arith.constant 0 : i32
      %dma_wait3A_47 = tpu.memref_slice %arg5[%add3A_18, %dma_wait3A_46] : memref<16384x32xf32, #tpu.memory_space<hbm>> -> memref<256x32xf32, #tpu.memory_space<hbm>>
      %dma_wait3A_48 = arith.constant 0 : i32
      %dma_wait3A_49 = tpu.memref_slice %arg5[%add3A_18, %dma_wait3A_48] : memref<16384x32xf32, #tpu.memory_space<hbm>> -> memref<256x32xf32, #tpu.memory_space<hbm>>
      tpu.wait_dma2 semaphore(%run_scoped3A : memref<!tpu.dma_semaphore, #tpu.memory_space<semaphore_mem>>) src(%dma_wait3A_49 : memref<256x32xf32, #tpu.memory_space<hbm>>) dst(%arg11 : memref<256x32xf32, #tpu.memory_space<vmem>>)
      tpu.yield
    }) : () -> ()
    %scan3A_25 = arith.constant 0 : i32
    %scan3A_26 = arith.constant 256 : i32
    %scan3A_27 = arith.addi %scan3A_25, %scan3A_26 : i32
    %scan3A_28 = arith.constant 1 : i32
    %scan3A_29:2 = scf.for %scan3A_42 = %scan3A_25 to %scan3A_27 step %scan3A_28 iter_args(%scan3A_43 = %scan3A_13#0, %scan3A_44 = %scan3A_13#1) -> (vector<16xf32>, vector<16xf32>)  : i32 {
      %get3A = arith.index_cast %scan3A_42 : i32 to index
      %get3A_45 = arith.constant 0 : index
      %get3A_46 = tpu.vector_load %arg9[%get3A, %get3A_45] {strides = array<i32>} : memref<256x128xf32, #tpu.memory_space<vmem>>, vector<1x16xf32>,
      %get3A_47 = vector.shape_cast %get3A_46 : vector<1x16xf32> to vector<16xf32>
      %get3A_48 = arith.index_cast %scan3A_42 : i32 to index
      %get3A_49 = arith.constant 0 : index
      %get3A_50 = tpu.vector_load %arg10[%get3A_48, %get3A_49] {strides = array<i32>} : memref<256x32xf32, #tpu.memory_space<vmem>>, vector<1x16xf32>,
      %get3A_51 = vector.shape_cast %get3A_50 : vector<1x16xf32> to vector<16xf32>
      %sub3A = arith.subf %get3A_47, %get3A_51 : vector<16xf32>
      %get3A_52 = arith.index_cast %scan3A_42 : i32 to index
      %get3A_53 = arith.constant 16 : index
      %get3A_54 = tpu.vector_load %arg9[%get3A_52, %get3A_53] {strides = array<i32>} : memref<256x128xf32, #tpu.memory_space<vmem>>, vector<1x16xf32>,
      %get3A_55 = vector.shape_cast %get3A_54 : vector<1x16xf32> to vector<16xf32>
      %get3A_56 = arith.index_cast %scan3A_42 : i32 to index
      %get3A_57 = arith.constant 16 : index
      %get3A_58 = tpu.vector_load %arg10[%get3A_56, %get3A_57] {strides = array<i32>} : memref<256x32xf32, #tpu.memory_space<vmem>>, vector<1x16xf32>,
      %get3A_59 = vector.shape_cast %get3A_58 : vector<1x16xf32> to vector<16xf32>
      %sub3A_60 = arith.subf %get3A_55, %get3A_59 : vector<16xf32>
      %get3A_61 = arith.index_cast %scan3A_42 : i32 to index
      %get3A_62 = arith.constant 32 : index
      %get3A_63 = tpu.vector_load %arg9[%get3A_61, %get3A_62] {strides = array<i32>} : memref<256x128xf32, #tpu.memory_space<vmem>>, vector<1x16xf32>,
      %get3A_64 = vector.shape_cast %get3A_63 : vector<1x16xf32> to vector<16xf32>
      %get3A_65 = arith.index_cast %scan3A_42 : i32 to index
      %get3A_66 = arith.constant 0 : index
      %get3A_67 = tpu.vector_load %arg11[%get3A_65, %get3A_66] {strides = array<i32>} : memref<256x32xf32, #tpu.memory_space<vmem>>, vector<1x16xf32>,
      %get3A_68 = vector.shape_cast %get3A_67 : vector<1x16xf32> to vector<16xf32>
      %sub3A_69 = arith.subf %get3A_64, %get3A_68 : vector<16xf32>
      %get3A_70 = arith.index_cast %scan3A_42 : i32 to index
      %get3A_71 = arith.constant 48 : index
      %get3A_72 = tpu.vector_load %arg9[%get3A_70, %get3A_71] {strides = array<i32>} : memref<256x128xf32, #tpu.memory_space<vmem>>, vector<1x16xf32>,
      %get3A_73 = vector.shape_cast %get3A_72 : vector<1x16xf32> to vector<16xf32>
      %get3A_74 = arith.index_cast %scan3A_42 : i32 to index
      %get3A_75 = arith.constant 16 : index
      %get3A_76 = tpu.vector_load %arg11[%get3A_74, %get3A_75] {strides = array<i32>} : memref<256x32xf32, #tpu.memory_space<vmem>>, vector<1x16xf32>,
      %get3A_77 = vector.shape_cast %get3A_76 : vector<1x16xf32> to vector<16xf32>
      %sub3A_78 = arith.subf %get3A_73, %get3A_77 : vector<16xf32>
      %mul3A_79 = arith.mulf %sub3A, %sub3A : vector<16xf32>
      %add3A_80 = arith.addf %scan3A_43, %mul3A_79 : vector<16xf32>
      %mul3A_81 = arith.mulf %sub3A_60, %sub3A_60 : vector<16xf32>
      %add3A_82 = arith.addf %add3A_80, %mul3A_81 : vector<16xf32>
      %mul3A_83 = arith.mulf %sub3A_69, %sub3A_69 : vector<16xf32>
      %add3A_84 = arith.addf %scan3A_44, %mul3A_83 : vector<16xf32>
      %mul3A_85 = arith.mulf %sub3A_78, %sub3A_78 : vector<16xf32>
      %add3A_86 = arith.addf %add3A_84, %mul3A_85 : vector<16xf32>
      scf.yield %add3A_82, %add3A_86 : vector<16xf32>, vector<16xf32>
    }
    %scan3A_30 = arith.constant 256 : i32
    %swap3A = arith.constant 0 : i32
    %swap3A_31 = arith.index_cast %swap3A : i32 to index
    %swap3A_32 = arith.constant 0 : index
    %swap3A_33 = tpu.vector_load %arg12[%swap3A_31, %swap3A_32] {strides = array<i32>} : memref<2x16xf32, #tpu.memory_space<vmem>>, vector<1x16xf32>,
    %swap3A_34 = vector.shape_cast %swap3A_33 : vector<1x16xf32> to vector<16xf32>
    %swap3A_35 = vector.shape_cast %scan3A_29#0 : vector<16xf32> to vector<1x16xf32>
    tpu.vector_store %arg12[%swap3A_31, %swap3A_32], %swap3A_35 {strides = array<i32>} : memref<2x16xf32, #tpu.memory_space<vmem>>, vector<1x16xf32>,
    %swap3A_36 = arith.constant 1 : i32
    %swap3A_37 = arith.index_cast %swap3A_36 : i32 to index
    %swap3A_38 = arith.constant 0 : index
    %swap3A_39 = tpu.vector_load %arg12[%swap3A_37, %swap3A_38] {strides = array<i32>} : memref<2x16xf32, #tpu.memory_space<vmem>>, vector<1x16xf32>,
    %swap3A_40 = vector.shape_cast %swap3A_39 : vector<1x16xf32> to vector<16xf32>
    %swap3A_41 = vector.shape_cast %scan3A_29#1 : vector<16xf32> to vector<1x16xf32>
    tpu.vector_store %arg12[%swap3A_37, %swap3A_38], %swap3A_41 {strides = array<i32>} : memref<2x16xf32, #tpu.memory_space<vmem>>, vector<1x16xf32>,
    "tpu.region"() ({
      %run_scoped3A = tpu.sem_alloc : memref<!tpu.dma_semaphore, #tpu.memory_space<semaphore_mem>>
      %dma_start3A_42 = arith.constant 0 : i32
      %dma_start3A_43 = arith.constant 0 : i32
      %dma_start3A_44 = tpu.memref_slice %arg7[%add3A, %dma_start3A_42, %dma_start3A_43] : memref<32x2x16xf32, #tpu.memory_space<hbm>> -> memref<1x2x16xf32, #tpu.memory_space<hbm>>
      %dma_start3A_45 = tpu.memref_squeeze %dma_start3A_44 : memref<1x2x16xf32, #tpu.memory_space<hbm>> -> memref<2x16xf32, #tpu.memory_space<hbm>>
      %dma_start3A_46 = arith.constant 0 : i32
      %dma_start3A_47 = arith.constant 0 : i32
      %dma_start3A_48 = tpu.memref_slice %arg7[%add3A, %dma_start3A_46, %dma_start3A_47] : memref<32x2x16xf32, #tpu.memory_space<hbm>> -> memref<1x2x16xf32, #tpu.memory_space<hbm>>
      %dma_start3A_49 = tpu.memref_squeeze %dma_start3A_48 : memref<1x2x16xf32, #tpu.memory_space<hbm>> -> memref<2x16xf32, #tpu.memory_space<hbm>>
      tpu.enqueue_dma source(%arg12 : memref<2x16xf32, #tpu.memory_space<vmem>>) target(%dma_start3A_49 : memref<2x16xf32, #tpu.memory_space<hbm>>) target_semaphore(%run_scoped3A : memref<!tpu.dma_semaphore, #tpu.memory_space<semaphore_mem>>)
      %dma_wait3A_50 = arith.constant 0 : i32
      %dma_wait3A_51 = arith.constant 0 : i32
      %dma_wait3A_52 = tpu.memref_slice %arg7[%add3A, %dma_wait3A_50, %dma_wait3A_51] : memref<32x2x16xf32, #tpu.memory_space<hbm>> -> memref<1x2x16xf32, #tpu.memory_space<hbm>>
      %dma_wait3A_53 = tpu.memref_squeeze %dma_wait3A_52 : memref<1x2x16xf32, #tpu.memory_space<hbm>> -> memref<2x16xf32, #tpu.memory_space<hbm>>
      %dma_wait3A_54 = arith.constant 0 : i32
      %dma_wait3A_55 = arith.constant 0 : i32
      %dma_wait3A_56 = tpu.memref_slice %arg7[%add3A, %dma_wait3A_54, %dma_wait3A_55] : memref<32x2x16xf32, #tpu.memory_space<hbm>> -> memref<1x2x16xf32, #tpu.memory_space<hbm>>
      %dma_wait3A_57 = tpu.memref_squeeze %dma_wait3A_56 : memref<1x2x16xf32, #tpu.memory_space<hbm>> -> memref<2x16xf32, #tpu.memory_space<hbm>>
      tpu.wait_dma2 semaphore(%run_scoped3A : memref<!tpu.dma_semaphore, #tpu.memory_space<semaphore_mem>>) src(%arg12 : memref<2x16xf32, #tpu.memory_space<vmem>>) dst(%dma_wait3A_57 : memref<2x16xf32, #tpu.memory_space<hbm>>)
      tpu.yield
    }) : () -> ()
    return
  }
}

module attributes {stable_mosaic.version = 14 : i64} {
  func.func @_argmin_body(%arg0: i32, %arg1: memref<256x32xf32, #tpu.memory_space<vmem>>, %arg2: memref<256x32xf32, #tpu.memory_space<vmem>>, %arg3: memref<32x8192xf32, #tpu.memory_space<vmem>>, %arg4: memref<32x8192xf32, #tpu.memory_space<vmem>>, %arg5: memref<256xi32, #tpu.memory_space<vmem>>) attributes {dimension_semantics = [#tpu.dimension_semantics<arbitrary>], iteration_bounds = array<i64: 64>, scalar_prefetch = 0 : i64, scratch_operands = 0 : i64, tpu.core_type = #tpu.core_type<tc>, window_params = [{transform_indices = @transform_0, window_bounds = array<i64: 256, 32>}, {transform_indices = @transform_1, window_bounds = array<i64: 256, 32>}, {pipeline_mode = #tpu.pipeline_mode<synchronous>, transform_indices = @transform_2, window_bounds = array<i64: 32, 8192>}, {pipeline_mode = #tpu.pipeline_mode<synchronous>, transform_indices = @transform_3, window_bounds = array<i64: 32, 8192>}, {transform_indices = @transform_4, window_bounds = array<i64: 256>}]} {
    %get3A = arith.constant 0 : index
    %get3A_0 = arith.constant 0 : index
    %get3A_1 = vector.load %arg1[%get3A, %get3A_0] : memref<256x32xf32, #tpu.memory_space<vmem>>, vector<256x32xf32>
    %get3A_2 = arith.constant 0 : index
    %get3A_3 = arith.constant 0 : index
    %get3A_4 = vector.load %arg2[%get3A_2, %get3A_3] : memref<256x32xf32, #tpu.memory_space<vmem>>, vector<256x32xf32>
    %concatenate3A = tpu.concatenate %get3A_1, %get3A_4 in 1 : vector<256x32xf32>, vector<256x32xf32> -> vector<256x64xf32>
    %get3A_5 = arith.constant 0 : index
    %get3A_6 = arith.constant 0 : index
    %get3A_7 = vector.load %arg3[%get3A_5, %get3A_6] : memref<32x8192xf32, #tpu.memory_space<vmem>>, vector<32x8192xf32>
    %get3A_8 = arith.constant 0 : index
    %get3A_9 = arith.constant 0 : index
    %get3A_10 = vector.load %arg4[%get3A_8, %get3A_9] : memref<32x8192xf32, #tpu.memory_space<vmem>>, vector<32x8192xf32>
    %concatenate3A_11 = tpu.concatenate %get3A_7, %get3A_10 in 0 : vector<32x8192xf32>, vector<32x8192xf32> -> vector<64x8192xf32>
    %mul3A = arith.mulf %concatenate3A, %concatenate3A : vector<256x64xf32>
    %reduce_sum3A = arith.constant dense<0.000000e+00> : vector<256xf32>
    %reduce_sum3A_12 = vector.multi_reduction <add>, %mul3A, %reduce_sum3A [1] : vector<256x64xf32> to vector<256xf32>
    %broadcast_in_dim3A = vector.shape_cast %reduce_sum3A_12 : vector<256xf32> to vector<256x1xf32>
    %convert_element_type3A = arith.truncf %concatenate3A : vector<256x64xf32> to vector<256x64xbf16>
    %convert_element_type3A_13 = arith.truncf %concatenate3A_11 : vector<64x8192xf32> to vector<64x8192xbf16>
    %dot_general3A = arith.constant dense<0.000000e+00> : vector<256x8192xf32>
    %dot_general3A_14 = tpu.matmul %convert_element_type3A, %convert_element_type3A_13, %dot_general3A {dimension_numbers = #tpu.dot_dimension_numbers<[1], [0], [0], [1], [0, 0, 1, 1], [], []>, transpose_lhs_hint = false} : vector<256x64xbf16>, vector<64x8192xbf16>, vector<256x8192xf32> -> vector<256x8192xf32>
    %mul3A_15 = arith.mulf %concatenate3A_11, %concatenate3A_11 : vector<64x8192xf32>
    %reduce_sum3A_16 = arith.constant dense<0.000000e+00> : vector<8192xf32>
    %reduce_sum3A_17 = vector.multi_reduction <add>, %mul3A_15, %reduce_sum3A_16 [0] : vector<64x8192xf32> to vector<8192xf32>
    %broadcast_in_dim3A_18 = vector.shape_cast %reduce_sum3A_17 : vector<8192xf32> to vector<1x8192xf32>
    %mul3A_19 = arith.constant 2.000000e+00 : f32
    %mul3A_20 = vector.broadcast %mul3A_19 : f32 to vector<256x8192xf32>
    %mul3A_21 = arith.mulf %mul3A_20, %dot_general3A_14 : vector<256x8192xf32>
    %sub3A = vector.broadcast %broadcast_in_dim3A : vector<256x1xf32> to vector<256x8192xf32>
    %sub3A_22 = arith.subf %sub3A, %mul3A_21 : vector<256x8192xf32>
    %add3A = vector.broadcast %broadcast_in_dim3A_18 : vector<1x8192xf32> to vector<256x8192xf32>
    %add3A_23 = arith.addf %sub3A_22, %add3A : vector<256x8192xf32>
    %reduce_min3A = arith.constant dense<0x7F800000> : vector<256xf32>
    %reduce_min3A_24 = vector.multi_reduction <minimumf>, %add3A_23, %reduce_min3A [1] : vector<256x8192xf32> to vector<256xf32>
    %broadcast_in_dim3A_25 = vector.shape_cast %reduce_min3A_24 : vector<256xf32> to vector<256x1xf32>
    %iota3A = tpu.iota {dimensions = array<i32: 1>} : vector<256x8192xi32>
    %eq3A = vector.broadcast %broadcast_in_dim3A_25 : vector<256x1xf32> to vector<256x8192xf32>
    %eq3A_26 = arith.cmpf oeq, %add3A_23, %eq3A : vector<256x8192xf32>
    %jit3A = arith.constant 8192 : i32
    %broadcast_in_dim3A_27 = vector.broadcast %jit3A : i32 to vector<256x8192xi32>
    %select_n3A = arith.select %eq3A_26, %iota3A, %broadcast_in_dim3A_27 : vector<256x8192xi1>, vector<256x8192xi32>
    %reduce_min3A_28 = arith.constant dense<2147483647> : vector<256xi32>
    %reduce_min3A_29 = vector.multi_reduction <minsi>, %select_n3A, %reduce_min3A_28 [1] : vector<256x8192xi32> to vector<256xi32>
    %swap3A = arith.constant 0 : index
    %swap3A_30 = vector.load %arg5[%swap3A] : memref<256xi32, #tpu.memory_space<vmem>>, vector<256xi32>
    tpu.vector_store %arg5[%swap3A], %reduce_min3A_29 {strides = array<i32>} : memref<256xi32, #tpu.memory_space<vmem>>, vector<256xi32>,
    return
  }
  func.func @transform_0(%arg0: i32) -> (i32, i32) {
    %c0_i32 = arith.constant 0 : i32
    %c0_i32_0 = arith.constant 0 : i32
    return %arg0, %c0_i32 : i32, i32
  }
  func.func @transform_1(%arg0: i32) -> (i32, i32) {
    %c0_i32 = arith.constant 0 : i32
    %c0_i32_0 = arith.constant 0 : i32
    return %arg0, %c0_i32 : i32, i32
  }
  func.func @transform_2(%arg0: i32) -> (i32, i32) {
    %c0_i32 = arith.constant 0 : i32
    %c0_i32_0 = arith.constant 0 : i32
    %c0_i32_1 = arith.constant 0 : i32
    return %c0_i32, %c0_i32_0 : i32, i32
  }
  func.func @transform_3(%arg0: i32) -> (i32, i32) {
    %c0_i32 = arith.constant 0 : i32
    %c0_i32_0 = arith.constant 0 : i32
    %c0_i32_1 = arith.constant 0 : i32
    return %c0_i32, %c0_i32_0 : i32, i32
  }
  func.func @transform_4(%arg0: i32) -> i32 {
    %c0_i32 = arith.constant 0 : i32
    return %arg0 : i32
  }
}

</mosaic_0001>

<sc_bundles>
// kernel: kernel.4.cloned.1.call-start
scs
__scs_entry_jumppad:
0x0: {  	(pc) =	sbr.rel $0x88, $3  }
0x1: {  	(tag) =	ssettag $0x0;
	lr =	simm.s32 $0x1  }
0x2: {  	[smem:$0x3F9D] =	sst lr;
	_ =	strace $0xD0000000  }
0x3: {  	_ = 	snop  }
0x4: {  	_ = 	snop  }
0x5: {  	_ = 	snop  }
0x6: {  	_ = 	snop  }
0x7: {  	_ = 	snop  }
__scs_overlays_trampoline_lowered:
0x8: {  	[smem:$0x3FAC] =	sst s0  }
0x9: {  	[smem:$0x3FAD] =	sst s1  }
0xa: {  	[smem:$0x3FAE] =	sst s2  }
0xb: {  	[smem:$0x3FAF] =	sst s3  }
0xc: {  	[smem:$0x3FB0] =	sst s4  }
0xd: {  	[smem:$0x3FB1] =	sst s5  }
0xe: {  	[smem:$0x3FB2] =	sst s6  }
0xf: {  	[smem:$0x3FB3] =	sst s7  }
0x10: {  	[smem:$0x3FB4] =	sst s8  }
0x11: {  	[smem:$0x3FB5] =	sst s9;
	s0 =	simm.s32 @!p0 $0x0  }
0x12: {  	s1 =	sld [smem:$0x3F9B];
	s0 =	simm.s32 @p0 $0x1  }
0x13: {  	[smem:$0x3FB6] =	sst s0;
	s0 =	simm.s32 @!p1 $0x0  }
0x14: {  	s2 =	sld [smem:$0x3F9A];
	s0 =	simm.s32 @p1 $0x1  }
0x15: {  	[smem:$0x3FB7] =	sst s0;
	s0 =	simm.s32 @!p2 $0x0  }
0x16: {  	s3 =	sld [smem:$0x3FDB];
	s0 =	simm.s32 @p2 $0x1  }
0x17: {  	s4 =	simm.s32 $0x1BF5;
	[smem:$0x3FB9] =	sst s0  }
0x18: {  	s0 =	sld [smem:$0x3F9C];
	_ =	swait.ge [sflag:s4], $0x0  }
0x19: {  	s7 =	sld [smem:$0x3F9D]  }
0x1a: {  	s8 =	sadd.s32 $0xFFFFE003, lr  }
0x1b: {  	s9 =	sadd.s32 $0xFFFFFEF7, lr;
	s5 =	simm.s32 $0xFFFFFFFF;
	p2 =	slt.u32 s8, $0xFFFFF086  }
0x1c: {  	p1 =	slt.u32 s9, $0xF7A;
	s5 =	simm.s32 @!p2 $0x0  }
0x1d: {  	s5 =	simm.s32 @p1 $0x1;
	p0 =	seq.s32 s7, s2  }
0x1e: {  	s7 =	smul.u32 @!p0 $0xF7A, s2;
	p2 =	seq.s32 @!p0 s5, $0x0  }
0x1f: {  	s9 =	smul.u32 $0xF7A, s1;
	s8 =	simm.s32 @!p0 $0x1BF5;
	p2 =	por !p2, p0  }
0x20: {  	[sflag:s8] =	ssyncset.s32 @!p0 $0xFFFFF086;
	s6 =	sadd.s32 @!p0 s3, s7;
	s7 =	simm.s32 @!p0 $0x108  }
0x21: {  	s3 =	sadd.s32 s3, s9;
	s6 =	sadd.s32 @!p0 $0x88, s6;
	s7 =	simm.s32 @p2 $0x1082  }
0x22: {  	[simem:s7], [sflag:s8] =	dma.local @!p0 [hbm:s6], $0xF7A  }
0x23: {  	s9 =	sor.u32 $0xD0000000, s2;
	s6 =	simm.s32 $0x108;
	_ =	swait.ge @!p0 [sflag:s8], $0x0  }
0x24: {  	s3 =	sadd.s32 $0x88, s3;
	s6 =	simm.s32 @!p1 $0x1082;
	[sflag:s4] =	ssyncset.s32 $0xFFFFF086  }
0x25: {  	[simem:s6], [sflag:s4] =	dma.local [hbm:s3], $0xF7A  }
0x26: {  	[smem:$0x3F9D] =	sst s1;
	(tag) =	ssettag s2;
	_ =	strace s9  }
0x27: {  	s1 =	sld [smem:$0x3FAD]  }
0x28: {  	s2 =	sld [smem:$0x3FAE]  }
0x29: {  	s4 =	sld [smem:$0x3FB0]  }
0x2a: {  	p0 =	seq.s32 s5, $0x0;
	s5 =	sld [smem:$0x3FB1]  }
0x2b: {  	s6 =	sld [smem:$0x3FB2]  }
0x2c: {  	s7 =	sld [smem:$0x3FB3]  }
0x2d: {  	s3 =	simm.s32 $0x108;
	s8 =	sld [smem:$0x3FB4]  }
0x2e: {  	s3 =	simm.s32 @!p0 $0x1082;
	s9 =	sld [smem:$0x3FB5]  }
0x2f: {  	lr =	sadd.s32 s0, s3;
	s0 =	sld [smem:$0x3FAC]  }
0x30: {  	s3 =	sld [smem:$0x3FAF]  }
0x31: {  	[smem:$0x3FB8] =	sst s10  }
0x32: {  	s10 =	sld [smem:$0x3FB6];
	_ =	sdelay $0x3  }
0x33: {  	p0 =	seq.s32 s10, $0x1;
	s10 =	sld [smem:$0x3FB8];
	_ =	sdelay $0x3  }
0x34: {  	[smem:$0x3FB8] =	sst s10  }
0x35: {  	s10 =	sld [smem:$0x3FB7];
	_ =	sdelay $0x3  }
0x36: {  	p1 =	seq.s32 s10, $0x1;
	s10 =	sld [smem:$0x3FB8];
	_ =	sdelay $0x3  }
0x37: {  	[smem:$0x3FB8] =	sst s10  }
0x38: {  	s10 =	sld [smem:$0x3FB9]  }
0x39: {  	_ = 	snop;
	(pc) =	sbr.ind lr, $3  }
0x3a: {  	_ = 	snop  }
0x3b: {  	_ = 	snop  }
0x3c: {  	p2 =	seq.s32 s10, $0x1;
	s10 =	sld [smem:$0x3FB8]  }
0x3d: {  	_ =	shalt  }
0x3e: {  	_ =	shalt  }
0x3f: {  	_ =	shalt  }
0x40: {  	_ =	shalt  }
0x41: {  	_ =	shalt  }
0x42: {  	_ =	shalt  }
0x43: {  	_ =	shalt  }
0x44: {  	_ =	shalt  }
0x45: {  	_ =	shalt  }
0x46: {  	_ =	shalt  }
0x47: {  	_ =	shalt  }
0x48: {  	_ =	shalt  }
0x49: {  	_ =	shalt  }
0x4a: {  	_ =	shalt  }
0x4b: {  	_ =	shalt  }
0x4c: {  	_ =	shalt  }
0x4d: {  	_ =	shalt  }
0x4e: {  	_ =	shalt  }
0x4f: {  	_ =	shalt  }
0x50: {  	_ =	shalt  }
0x51: {  	_ =	shalt  }
0x52: {  	_ =	shalt  }
0x53: {  	_ =	shalt  }
0x54: {  	_ =	shalt  }
0x55: {  	_ =	shalt  }
0x56: {  	_ =	shalt  }
0x57: {  	_ =	shalt  }
0x58: {  	_ =	shalt  }
0x59: {  	_ =	shalt  }
0x5a: {  	_ =	shalt  }
0x5b: {  	_ =	shalt  }
0x5c: {  	_ =	shalt  }
0x5d: {  	_ =	shalt  }
0x5e: {  	_ =	shalt  }
0x5f: {  	_ =	shalt  }
0x60: {  	_ =	shalt  }
0x61: {  	_ =	shalt  }
0x62: {  	_ =	shalt  }
0x63: {  	_ =	shalt  }
0x64: {  	_ =	shalt  }
0x65: {  	_ =	shalt  }
0x66: {  	_ =	shalt  }
0x67: {  	_ =	shalt  }
0x68: {  	_ =	shalt  }
0x69: {  	_ =	shalt  }
0x6a: {  	_ =	shalt  }
0x6b: {  	_ =	shalt  }
0x6c: {  	_ =	shalt  }
0x6d: {  	_ =	shalt  }
0x6e: {  	_ =	shalt  }
0x6f: {  	_ =	shalt  }
0x70: {  	_ =	shalt  }
0x71: {  	_ =	shalt  }
0x72: {  	_ =	shalt  }
0x73: {  	_ =	shalt  }
0x74: {  	_ =	shalt  }
0x75: {  	_ =	shalt  }
0x76: {  	_ =	shalt  }
0x77: {  	_ =	shalt  }
0x78: {  	_ =	shalt  }
0x79: {  	_ =	shalt  }
0x7a: {  	_ =	shalt  }
0x7b: {  	_ =	shalt  }
0x7c: {  	_ =	shalt  }
0x7d: {  	_ =	shalt  }
0x7e: {  	_ =	shalt  }
0x7f: {  	_ =	shalt  }
0x80: {  	_ =	shalt  }
0x81: {  	_ =	shalt  }
0x82: {  	_ =	shalt  }
0x83: {  	_ =	shalt  }
0x84: {  	_ =	shalt  }
0x85: {  	_ =	shalt  }
0x86: {  	_ =	shalt  }
0x87: {  	_ =	shalt  }
.Lfunc_end0:
.L_simem_size_0:
called_computation_lowered:
.L_overlay_start_0:
0x88: {  	s2 =	sld [smem:$0x3FD9]  }
0x89: {  	s3 =	sld [smem:$0x3FFE];
	_ =	sdelay $0x1  }
0x8a: {  	s1 =	srdreg.scid  }
0x8b: {  	s0 =	sand.u32 $0x1, s1  }
0x8c: {  	s14 =	sshll.u32 s0, $0xA;
	s2 =	sadd.s32 s3, s2  }
0x8d: {  	s2 =	sadd.s32 s2, s14  }
0x8e: {  	[smem:$0x3FC4] =	sst s2  }
0x8f: {  	_ = 	snop  }
0x90: {  	s2 =	sld [smem:$0x3FD0];
	_ =	sdelay $0x2  }
0x91: {  	s15 =	simm.s32 $0xA;
	s4 =	simm.s32 $0x10  }
0x92: {  	[smem:s4], [sflag:s15] =	dma.local [hbm:s2], $0x1  }
0x93: {  	_ =	swait.eq [sflag:s15], $0x1  }
0x94: {  	[sflag:s15] =	ssyncset.done $0x0  }
0x95: {  	[sflag:s15] =	ssyncadd.s32 $0xFFFFFFFF  }
0x96: {  	s16 =	sld [smem:$0x15];
	(tm) =	ssettm $0x1  }
0x97: {  	s17 =	sld [smem:$0x3FFB];
	_ =	sdelay $0x3  }
0x98: {  	_ =	strace s17  }
0x99: {  	s3 =	sld [smem:$0x3FFC];
	_ =	sdelay $0x3  }
0x9a: {  	_ =	strace s3  }
0x9b: {  	s3 =	sld [smem:$0x3FFD];
	_ =	sdelay $0x3  }
0x9c: {  	_ =	strace s3  }
0x9d: {  	_ =	strace $0x8FFFFFFF  }
0x9e: {  	s18 =	sld [smem:$0x3FDB];
	_ =	sdelay $0x1  }
0x9f: {  	s19 =	simm.s32 $_scs_section_size  }
0xa0: {  	s5 =	simm.s32 $_size__tile_overlayer_lowered;
	s6 =	simm.s32 $_tile_overlayer_lowered  }
0xa1: {  	s22 =	simm.s32 $0x1BFF;
	s21 =	sshll.u32 s6, $0x1;
	s3 =	sadd.s32 s19, s18  }
0xa2: {  	s7 =	simm.s32 $0x0;
	s20 =	sshll.u32 s5, $0x1;
	s5 =	sadd.s32 s21, s3  }
0xa3: {  	[timem:s7], [sflag:s22] =	dma.local [hbm:s5], s20  }
0xa4: {  	_ =	swait.ge [sflag:s22], s20  }
0xa5: {  	s4 =	ssub.s32 $0x0, s20;
	[sflag:s22] =	ssyncset.done $0x0  }
0xa6: {  	[sflag:s22] =	ssyncadd.s32 s4;
	_ =	sdelay $0x1  }
0xa7: {  	s23 =	simm.s32 $0x1B8B  }
0xa8: {  	_ =	swait.ge [sflag:s23], $0x1  }
0xa9: {  	[sflag:s23] =	ssyncset.done $0x0  }
0xaa: {  	s25 =	simm.s32 $0x1B8E;
	s24 =	sld [smem:$0x3FFE];
	[sflag:s23] =	ssyncadd.s32 $0xFFFFFFFF  }
0xab: {  	s26 =	simm.s32 $execute0_lowered;
	[smem:$0x3FD2] =	sst s25  }
0xac: {  	s5 =	sshll.u32 s26, $0x1;
	_ =	strace $0x80000046;
	[dreg:$0x1] =	wrdreg $0xFFFFFFFF  }
0xad: {  	s28 =	simm.s32 $_size_execute0_lowered;
	s3 =	sadd.s32 s3, s5;
	[dreg:$0x0] =	wrdreg $0x0  }
0xae: {  	s5 =	sshll.u32 s28, $0x1;
	[dreg:$0x2] =	wrdreg s3  }
0xaf: {  	[dreg:$0x3] =	wrdreg s5  }
0xb0: {  	[dreg:$0x4] =	wrdreg $0xC0  }
0xb1: {  	_ =	task [dreg:s7], $0x5FFFF  }
0xb2: {  	[dreg:$0x1] =	wrdreg $0xFFFFFFFF  }
0xb3: {  	[dreg:$0x0] =	wrdreg $0x60  }
0xb4: {  	[dreg:$0x2] =	wrdreg s16  }
0xb5: {  	[dreg:$0x3] =	wrdreg s24  }
0xb6: {  	[dreg:$0x4] =	wrdreg $0x9  }
0xb7: {  	_ =	task.clear_ibuf [dreg:s7], $0x5FFFF;
	_ =	strace $0x90000046  }
0xb8: {  	s29 =	simm.s32 $0x9;
	_ =	strace $0x80000048  }
0xb9: {  	_ =	swait.ge [sflag:s29], $0x1  }
0xba: {  	[sflag:s29] =	ssyncadd.s32 $0xFFFFFFFF  }
0xbb: {  	_ =	strace $0x90000048  }
0xbc: {  	_ =	sfence  }
0xbd: {  	s30 =	sld [smem:$0x0];
	_ =	sdelay $0x2  }
0xbe: {  	s31 =	sshll.u32 s1, $0xD;
	s1 =	sshrl.u32 s1, $0x2  }
0xbf: {  	s3 =	sand.u32 $0x4000, s31;
	s1 =	sadd.s32 s1, s30  }
0xc0: {  	s0 =	sor.u32 s3, s0;
	s1 =	sshll.u32 s1, $0x11  }
0xc1: {  	s0 =	sor.u32 s1, s0  }
0xc2: {  	s0 =	sadd.s32 $0x8F2B, s0  }
0xc3: {  	[sflag:s0] =	ssyncadd.remote.s32 $0x1  }
0xc4: {  	_ =	sfence.sel $0xFFFF  }
0xc5: {  	[dreg:$0x0] =	wrdreg $0xFFFFFFFF;
	(pc) =	sbr.abs _section_cstart, $3  }
0xc6: {  	[dreg:$0x1] =	wrdreg $0xFFFFFFFF  }
0xc7: {  	_ =	task.clear_ibuf [dreg:s7], $0x2FFFF;
	_ =	strace $0x9FFFFFFF  }
0xc8: {  	(tm) =	ssettm $0x7FFFFFFF  }
0xc9: {  	_ =	shalt  }
tec
execute0_lowered:
.L_overlay_start_1:
0x0: {  	(tag) =	ssettag $0x1  }
0x1: {  	s8 =	rddreg [dreg:$0x0]  }
0x2: {  	s4 =	rddreg [dreg:$0x1]  }
0x3: {  	s0 =	rddreg [dreg:$0x2];
	s2 =	simm.s32 $0x0  }
0x4: {  	s3 =	srdreg.scid;
	s1 =	stileid.u32;
	s16 =	simm.s32 $0x1  }
0x5: {  	s17 =	simm.s32 $0x8100;
	s18 =	simm.s32 $0x10100;
	s19 =	simm.s32 $0x18100  }
0x6: {  	s20 =	simm.s32 $0x0;
	[smem:$0x7FF] =	sst s2;
	s5 =	sand.u32 $0x1, s3  }
0x7: {  	s6 =	sshll.u32 s1, $0x1;
	s3 =	sadd.s32 $0x82400, s4;
	s10 =	sadd.s32 $0x42400, s4  }
0x8: {  	s11 =	sadd.s32 $0x2400, s4;
	s9 =	sadd.s32 $0xA2400, s4;
	s6 =	sor.u32 s5, s6  }
0x9: {  	_ =	strace $0x80000047;
	s5 =	ssub.s32 $0x2, s5;
	s7 =	sshll.u32 s6, $0x5  }
0xa: {  	s28 =	sshrl.u32 s5, $0x1;
	s29 =	sshll.u32 s6, $0x9;
	s30 =	sshll.u32 s6, $0x6  }
0xb: {  	s31 =	sshll.u32 s6, $0xD;
	s12 =	sadd.s32 s7, s4;
	s13 =	ssub.s32 s5, s28  }
0xc: {  	s4 =	sadd.s32 s8, s30;
	s14 =	sor.u32 $0x100, s29;
	s5 =	sadd.s32 s9, s31  }
0xd: {  	s6 =	sadd.s32 s10, s31;
	s7 =	sadd.s32 s11, s31;
	s15 =	sshrl.u32 s14, $0x3  }
0xe: {  	s14 =	sshll.u32 s14, $0x4;
	s12 =	sadd.s32 $0xE2400, s12;
	s13 =	smax.u32 s13, $0x1  }
0xf: {  	s8 =	sadd.s32 s8, s15;
	s9 =	sadd.s32 s9, s14;
	s10 =	sadd.s32 s10, s14  }
0x10: {  	s11 =	sadd.s32 s11, s14;
	s14 =	simm.s32 $0x2;
	s15 =	simm.s32 $0x100  }
.LBB2_1:
0x11: {  	[tilespmem:s2], [sflag:$0x2] =	stream.linear.gather [hbm4b:s4+s2], $0x100, $0x38;
	[tilespmem:$0x18200] =	vst v63  }
0x12: {  	_ =	swait.ge [sflag:s14], $0x100  }
0x13: {  	[sflag:s14] =	ssyncset.done $0x0  }
0x14: {  	[sflag:s14] =	ssyncadd.s32 $0xFFFFFF00  }
0x15: {  	[tilespmem:s15], [sflag:$0x1] =	stream.indirect.gather [hbm4b:s3+s15], $0x80, s2, s15, $0xb8;
	[tilespmem:$0x18200] =	vst v63  }
0x16: {  	_ =	swait.ge [sflag:s16], $0x8000  }
0x17: {  	[sflag:s16] =	ssyncset.done $0x0  }
0x18: {  	[sflag:s16] =	ssyncadd.s32 $0xFFFF8000  }
0x19: {  	[hbm4b:s5+s2] =	stream.linear.scatter [tilespmem:s15], [sflag:$0x2], $0x8000, $0x38;
	[tilespmem:$0x18200] =	vst v63  }
0x1a: {  	_ =	swait.ge [sflag:s14], $0x8000  }
0x1b: {  	[sflag:s14] =	ssyncset.done $0x0  }
0x1c: {  	[sflag:s14] =	ssyncadd.s32 $0xFFFF8000  }
0x1d: {  	[tilespmem:s17], [sflag:$0x2] =	stream.linear.gather [hbm4b:s6+s2], $0x8000, $0x38;
	[tilespmem:$0x18200] =	vst v63  }
0x1e: {  	_ =	swait.ge [sflag:s14], $0x8000  }
0x1f: {  	[sflag:s14] =	ssyncset.done $0x0  }
0x20: {  	[sflag:s14] =	ssyncadd.s32 $0xFFFF8000  }
0x21: {  	[tilespmem:s18], [sflag:$0x2] =	stream.linear.gather [hbm4b:s7+s2], $0x8000, $0x38;
	[tilespmem:$0x18200] =	vst v63  }
0x22: {  	_ =	swait.ge [sflag:s14], $0x8000  }
0x23: {  	[sflag:s14] =	ssyncset.done $0x0  }
0x24: {  	s21 =	simm.s32 $0x0;
	[sflag:s14] =	ssyncadd.s32 $0xFFFF8000  }
0x25: {  	v3 =	vld [tilespmem:s21+$0x110]  }
0x26: {  	v6 =	vld [tilespmem:s21+$0x8110]  }
0x27: {  	v4 =	vld [tilespmem:s21+$0x100]  }
0x28: {  	v5 =	vld [tilespmem:s21+$0x8100]  }
0x29: {  	v7 =	vld [tilespmem:s21+$0x120]  }
0x2a: {  	v8 =	vld [tilespmem:s21+$0x10100]  }
0x2b: {  	v9 =	vld [tilespmem:s21+$0x130]  }
0x2c: {  	v10 =	vld [tilespmem:s21+$0x10110]  }
0x2d: {  	s21 =	simm.s32 $0x80  }
0x2e: {  	v2 =	vld [tilespmem:s21+$0x110]  }
0x2f: {  	v0 =	vld [tilespmem:s21+$0x8110]  }
0x30: {  	v1 =	vld [tilespmem:s21+$0x100];
	v11 =	vsub.f32 v4, v5;
	v12 =	vsub.f32 v7, v8  }
0x31: {  	v5 =	vimm.f32 $0.0e+00;
	v4 =	vld [tilespmem:s21+$0x8100];
	v8 =	vsub.f32 v3, v6;
	v7 =	vsub.f32 v9, v10  }
0x32: {  	s22 =	simm.s32 $0x400;
	v3 =	vld [tilespmem:s21+$0x120];
	v6 =	vimm.f32 $0.0e+00;
	v10 =	vmul.f32 v11, v11;
	v9 =	vmul.f32 v12, v12  }
.LBB2_2:
0x33: {  	p0 =	sne.s32 s22, $0x1FE00;
	v11 =	vld [tilespmem:s21+$0x10100];
	v8 =	vmul.f32 v8, v8;
	v12 =	vmov v2  }
0x34: {  	v13 =	vld [tilespmem:s21+$0x130];
	v5 =	vadd.f32 v10, v5;
	v6 =	vadd.f32 v9, v6;
	v7 =	vmul.f32 v7, v7;
	v9 =	vmovc v0  }
0x35: {  	v10 =	vld [tilespmem:s21+$0x10110];
	s21 =	sshra.s32 s22, $0x2  }
.Ltmp0:
0x36: {  	v2 =	vld [tilespmem:s21+$0x110];
	v5 =	vadd.f32 v8, v5;
	v6 =	vadd.f32 v7, v6;
	(pc) =	sbr.rel @p0 .LBB2_2-.Ltmp0, $4  }
0x37: {  	v0 =	vld [tilespmem:s21+$0x8110]  }
0x38: {  	v14 =	vsub.f32 v1, v4;
	v1 =	vld [tilespmem:s21+$0x100];
	v11 =	vsub.f32 v3, v11  }
0x39: {  	v8 =	vsub.f32 v12, v9;
	v4 =	vld [tilespmem:s21+$0x8100]  }
0x3a: {  	s22 =	sadd.s32 $0x200, s22;
	v3 =	vld [tilespmem:s21+$0x120];
	v7 =	vsub.f32 v13, v10;
	v10 =	vmul.f32 v14, v14;
	v9 =	vmul.f32 v11, v11  }
0x3b: {  	v11 =	vld [tilespmem:s21+$0x10100]  }
0x3c: {  	v12 =	vld [tilespmem:s21+$0x130];
	s31 =	simm.s32 $0x0  }
0x3d: {  	v13 =	vld [tilespmem:s21+$0x10110];
	[tilespmem:s31], [sflag:$0x2] =	stream.linear.gather [hbm4b:s8+s31], $0x100, $0x38  }
0x3e: {  	_ =	swait.ge [sflag:s14], $0x100  }
0x3f: {  	[sflag:s14] =	ssyncset.done $0x0  }
0x40: {  	[sflag:s14] =	ssyncadd.s32 $0xFFFFFF00  }
0x41: {  	[tilespmem:s15], [sflag:$0x1] =	stream.indirect.gather [hbm4b:s3+s15], $0x80, s31, s15, $0xb8;
	[tilespmem:$0x18200] =	vst v63  }
0x42: {  	_ =	swait.ge [sflag:s16], $0x8000  }
0x43: {  	[sflag:s16] =	ssyncset.done $0x0  }
0x44: {  	[sflag:s16] =	ssyncadd.s32 $0xFFFF8000  }
0x45: {  	[hbm4b:s9+s31] =	stream.linear.scatter [tilespmem:s15], [sflag:$0x2], $0x8000, $0x38;
	[tilespmem:$0x18200] =	vst v63  }
0x46: {  	_ =	swait.ge [sflag:s14], $0x8000  }
0x47: {  	[sflag:s14] =	ssyncset.done $0x0  }
0x48: {  	[sflag:s14] =	ssyncadd.s32 $0xFFFF8000  }
0x49: {  	[tilespmem:s17], [sflag:$0x2] =	stream.linear.gather [hbm4b:s10+s31], $0x8000, $0x38;
	[tilespmem:$0x18200] =	vst v63  }
0x4a: {  	_ =	swait.ge [sflag:s14], $0x8000  }
0x4b: {  	[sflag:s14] =	ssyncset.done $0x0  }
0x4c: {  	[sflag:s14] =	ssyncadd.s32 $0xFFFF8000  }
0x4d: {  	[tilespmem:s18], [sflag:$0x2] =	stream.linear.gather [hbm4b:s11+s31], $0x8000, $0x38;
	[tilespmem:$0x18200] =	vst v63  }
0x4e: {  	_ =	swait.ge [sflag:s14], $0x8000  }
0x4f: {  	[sflag:s14] =	ssyncset.done $0x0  }
0x50: {  	s22 =	simm.s32 $0x0;
	[sflag:s14] =	ssyncadd.s32 $0xFFFF8000  }
0x51: {  	v14 =	vld [tilespmem:s22+$0x110]  }
0x52: {  	v15 =	vld [tilespmem:s22+$0x8110]  }
0x53: {  	v8 =	vmul.f32 v8, v8;
	v5 =	vadd.f32 v10, v5;
	v10 =	vld [tilespmem:s22+$0x100]  }
0x54: {  	v1 =	vsub.f32 v1, v4;
	v4 =	vld [tilespmem:s22+$0x8100]  }
0x55: {  	v6 =	vadd.f32 v9, v6;
	v7 =	vmul.f32 v7, v7;
	v5 =	vadd.f32 v8, v5;
	v8 =	vld [tilespmem:s22+$0x120]  }
0x56: {  	v0 =	vsub.f32 v2, v0;
	v3 =	vsub.f32 v3, v11;
	v1 =	vmul.f32 v1, v1;
	v9 =	vld [tilespmem:s22+$0x10100]  }
0x57: {  	v2 =	vadd.f32 v7, v6;
	v6 =	vsub.f32 v12, v13;
	v7 =	vld [tilespmem:s22+$0x130]  }
0x58: {  	s21 =	simm.s32 $0x80;
	v11 =	vmul.f32 v0, v0;
	v3 =	vmul.f32 v3, v3;
	v1 =	vadd.f32 v1, v5;
	v63 =	vld [tilespmem:s22+$0x10110]  }
0x59: {  	v0 =	vld [tilespmem:s21+$0x110]  }
0x5a: {  	v6 =	vmul.f32 v6, v6;
	v3 =	vadd.f32 v3, v2;
	v5 =	vadd.f32 v11, v1;
	v2 =	vld [tilespmem:s21+$0x8110]  }
0x5b: {  	v1 =	vld [tilespmem:s21+$0x100];
	v10 =	vsub.f32 v10, v4;
	v9 =	vsub.f32 v8, v9  }
0x5c: {  	v6 =	vadd.f32 v6, v3;
	v3 =	vld [tilespmem:s21+$0x8100];
	v8 =	vsub.f32 v14, v15  }
0x5d: {  	s22 =	simm.s32 $0x400;
	v4 =	vld [tilespmem:s21+$0x120];
	v7 =	vsub.f32 v7, v63;
	v10 =	vmul.f32 v10, v10;
	v9 =	vmul.f32 v9, v9  }
.LBB2_4:
0x5e: {  	p0 =	sne.s32 s22, $0x1FE00;
	v11 =	vld [tilespmem:s21+$0x10100];
	v8 =	vmul.f32 v8, v8;
	v12 =	vmov v0  }
0x5f: {  	v13 =	vld [tilespmem:s21+$0x130];
	v5 =	vadd.f32 v10, v5;
	v6 =	vadd.f32 v9, v6;
	v7 =	vmul.f32 v7, v7;
	v9 =	vmovc v2  }
0x60: {  	v10 =	vld [tilespmem:s21+$0x10110];
	s21 =	sshra.s32 s22, $0x2  }
.Ltmp1:
0x61: {  	v0 =	vld [tilespmem:s21+$0x110];
	v5 =	vadd.f32 v8, v5;
	v6 =	vadd.f32 v7, v6;
	(pc) =	sbr.rel @p0 .LBB2_4-.Ltmp1, $4  }
0x62: {  	v2 =	vld [tilespmem:s21+$0x8110]  }
0x63: {  	v14 =	vsub.f32 v1, v3;
	v1 =	vld [tilespmem:s21+$0x100];
	v11 =	vsub.f32 v4, v11  }
0x64: {  	v8 =	vsub.f32 v12, v9;
	v3 =	vld [tilespmem:s21+$0x8100]  }
0x65: {  	s22 =	sadd.s32 $0x200, s22;
	v4 =	vld [tilespmem:s21+$0x120];
	v7 =	vsub.f32 v13, v10;
	v10 =	vmul.f32 v14, v14;
	v9 =	vmul.f32 v11, v11  }
0x66: {  	v11 =	vld [tilespmem:s21+$0x10100]  }
0x67: {  	v12 =	vld [tilespmem:s21+$0x130]  }
0x68: {  	v13 =	vld [tilespmem:s21+$0x10110];
	_ =	sdelay $0x1  }
0x69: {  	v8 =	vmul.f32 v8, v8;
	v5 =	vadd.f32 v10, v5;
	v1 =	vsub.f32 v1, v3  }
0x6a: {  	v59 =	vadd.f32 v9, v6;
	v60 =	vmul.f32 v7, v7;
	v4 =	vsub.f32 v4, v11  }
0x6b: {  	v0 =	vsub.f32 v0, v2;
	v5 =	vadd.f32 v8, v5;
	v1 =	vmul.f32 v1, v1  }
0x6c: {  	v61 =	vadd.f32 v60, v59;
	v62 =	vsub.f32 v12, v13;
	v4 =	vmul.f32 v4, v4  }
0x6d: {  	v0 =	vmul.f32 v0, v0;
	v1 =	vadd.f32 v1, v5  }
0x6e: {  	v3 =	vmul.f32 v62, v62;
	v2 =	vadd.f32 v4, v61  }
0x6f: {  	v0 =	vadd.f32 v0, v1  }
0x70: {  	s20 =	sadd.s32 $0x1, s20;
	v63 =	vadd.f32 v3, v2  }
0x71: {  	p0 =	sne.s32 s20, s13;
	[tilespmem:$0x18100] =	vst v0  }
.Ltmp2:
0x72: {  	[tilespmem:$0x18180] =	vst v63;
	(pc) =	sbr.rel @p0 .LBB2_1-.Ltmp2, $4  }
0x73: {  	[hbm4b:s12+s2] =	stream.linear.scatter [tilespmem:s19], [sflag:$0x2], $0x100, $0x38;
	[tilespmem:$0x18200] =	vst v63  }
0x74: {  	_ =	swait.ge [sflag:s14], $0x100  }
0x75: {  	[sflag:s14] =	ssyncset.done $0x0  }
0x76: {  	[sflag:s14] =	ssyncadd.s32 $0xFFFFFF00  }
0x77: {  	_ =	sfence.sel $0x180000  }
0x78: {  	[bflag:$0x0] =	sbarrier.arrive $0xFFFF  }
0x79: {  	p0 =	sne.s32 s1, $0x0;
	_ =	strace $0x90000047  }
0x7a: {  	s0 =	sadd.s32 @!p0 $0x100000, s0;
	[bflag:$0x2] =	sbarrier.arrive $0xFFFF  }
0x7b: {  	[sflag:s0] =	ssyncadd.tile.s32 @!p0 $0x1;
	_ =	shalt  }
.Lfunc_end2:
_tile_overlayer_lowered:
.L_overlay_start_2:
0x7c: {  	(tag) =	ssettag $0x2  }
0x7d: {  	s0 =	rddreg [dreg:$0x0];
	s2 =	stileid.u32  }
0x7e: {  	s1 =	rddreg [dreg:$0x1];
	p0 =	sne.s32 s2, $0x0  }
0x7f: {  	s3 =	rddreg [dreg:$0x2];
	[bflag:$0x3] =	sbarrier.arrive $0xFFFF;
	s2 =	simm.s32 @!p0 $0x1C02  }
0x80: {  	[timem:s3], [sflag:s2] =	dma.local @!p0 [hbm:s0], s1  }
0x81: {  	s0 =	simm.s32 @!p0 $0x2  }
0x82: {  	_ =	swait.ge @!p0 [sflag:s0], s1  }
0x83: {  	s1 =	ssub.s32 @!p0 $0x0, s1;
	[sflag:s0] =	ssyncset.done @!p0 $0x0  }
0x84: {  	[sflag:s0] =	ssyncadd.s32 @!p0 s1  }
0x85: {  	[bflag:$0x3] =	sbarrier.arrive $0xFFFF  }
0x86: {  	_ =	shalt  }

</sc_bundles>
